<compile_context>
chip_gen: v7x
topology: tpu7x:2x2x1
jax: 0.10.2.dev20260603
libtpu: 0.0.44.dev20260713+nightly
codegen_flags: <defaults>
</compile_context>

<pallas_src>
import functools

import jax
import jax.numpy as jnp
from jax.experimental import pallas as pl
from jax.experimental.pallas import tpu as pltpu

_LANES = 128
_S = 16
_PACK = _LANES // _S


def _masked_linear_kernel(x_ref, m_ref, w_ref, b_ref, e_ref, o_ref):
    x = x_ref[...]
    y = jnp.dot(x, w_ref[...], preferred_element_type=jnp.float32)
    y = y + b_ref[...]
    mf = m_ref[...].astype(jnp.float32)
    me = jnp.dot(mf, e_ref[...], preferred_element_type=jnp.float32)
    o_ref[...] = y * me


@jax.jit
def kernel(stacks, mask, W, bias):
    b, n, _, s = stacks.shape
    h = W.shape[0]
    total = b * n * n * s
    m_rows = total // _LANES

    x = stacks.reshape(m_rows, _LANES)
    m2 = mask.reshape(m_rows, _PACK)

    w_big = jnp.kron(jnp.eye(_PACK, dtype=W.dtype), W.T)
    bias_big = jnp.tile(bias, _PACK).reshape(1, _LANES)
    expand = (jnp.arange(_LANES) // _S == jnp.arange(_PACK)[:, None]).astype(
        jnp.float32
    )

    block_rows = 4096
    grid = (m_rows // block_rows,)

    out = pl.pallas_call(
        _masked_linear_kernel,
        grid=grid,
        in_specs=[
            pl.BlockSpec((block_rows, _LANES), lambda i: (i, 0)),
            pl.BlockSpec((block_rows, _PACK), lambda i: (i, 0)),
            pl.BlockSpec((_LANES, _LANES), lambda i: (0, 0)),
            pl.BlockSpec((1, _LANES), lambda i: (0, 0)),
            pl.BlockSpec((_PACK, _LANES), lambda i: (0, 0)),
        ],
        out_specs=pl.BlockSpec((block_rows, _LANES), lambda i: (i, 0)),
        out_shape=jax.ShapeDtypeStruct((m_rows, _LANES), jnp.float32),
        compiler_params=pltpu.CompilerParams(
            dimension_semantics=("arbitrary",),
        ),
    )(x, m2, w_big, bias_big, expand)

    return out.reshape(b, n, n, h)

# --- scband reference (transcript-rebuilt; emitter-appended) ---
"""Pipeline reference for scband-adj-stack-attention-weights-78331613544461 (READ-ONLY COPY).

The authoritative reference and input builder live on the scoring server;
editing this copy changes nothing except your own understanding.
"""

import jax, jax.numpy as jnp
import numpy as np


def setup_inputs(seed: int = 0) -> dict:
    key = jax.random.key(seed)
    k1, k2, k3, k4 = jax.random.split(key, 4)
    b, n, num_stacks, num_heads = 8, 512, 16, 16
    stacks = jax.random.normal(k1, (b, n, n, num_stacks), dtype=jnp.float32)
    mask = jax.random.randint(k2, (b, n, n), 0, 2).astype(bool)
    # nn.Linear(input_dim=16, out_features=16) params
    bound = 1.0 / np.sqrt(num_stacks)
    W = jax.random.uniform(k3, (num_heads, num_stacks), dtype=jnp.float32, minval=-bound, maxval=bound)
    bias = jax.random.uniform(k4, (num_heads,), dtype=jnp.float32, minval=-bound, maxval=bound)
    return {"stacks": stacks, "mask": mask, "W": W, "bias": bias}


def reference(stacks, mask, W, bias):
    # torch: adj_weights = zeros(b,n,n,H); adj_weights[mask] = Linear(stacks[mask])
    # Equivalent dense form: apply linear everywhere, zero out unmasked entries.
    # (Identical values at masked positions; exact zeros elsewhere.)
    out = jnp.einsum('bijs,hs->bijh', stacks, W) + bias
    adj_weights = jnp.where(mask[..., None], out, jnp.zeros_like(out))
    return adj_weights

if __name__ == "__main__":
    import jax
    _d = setup_inputs()
    print(jax.jit(kernel)(*tuple(_d.values())))

</pallas_src>

<mosaic_0001>
module attributes {stable_mosaic.version = 14 : i64} {
  func.func @_masked_linear_kernel(%arg0: i32, %arg1: memref<4096x128xf32, #tpu.memory_space<vmem>>, %arg2: memref<4096x8xi32, #tpu.memory_space<vmem>>, %arg3: memref<128x128xf32, #tpu.memory_space<vmem>>, %arg4: memref<1x128xf32, #tpu.memory_space<vmem>>, %arg5: memref<8x128xf32, #tpu.memory_space<vmem>>, %arg6: memref<4096x128xf32, #tpu.memory_space<vmem>>) attributes {dimension_semantics = [#tpu.dimension_semantics<arbitrary>], iteration_bounds = array<i64: 64>, scalar_prefetch = 0 : i64, scratch_operands = 0 : i64, tpu.core_type = #tpu.core_type<tc>, window_params = [{transform_indices = @transform_0, window_bounds = array<i64: 4096, 128>}, {transform_indices = @transform_1, window_bounds = array<i64: 4096, 8>}, {pipeline_mode = #tpu.pipeline_mode<synchronous>, transform_indices = @transform_2, window_bounds = array<i64: 128, 128>}, {pipeline_mode = #tpu.pipeline_mode<synchronous>, transform_indices = @transform_3, window_bounds = array<i64: 1, 128>}, {pipeline_mode = #tpu.pipeline_mode<synchronous>, transform_indices = @transform_4, window_bounds = array<i64: 8, 128>}, {transform_indices = @transform_5, window_bounds = array<i64: 4096, 128>}]} {
    %get3A = arith.constant 0 : index
    %get3A_0 = arith.constant 0 : index
    %get3A_1 = vector.load %arg1[%get3A, %get3A_0] : memref<4096x128xf32, #tpu.memory_space<vmem>>, vector<4096x128xf32>
    %get3A_2 = arith.constant 0 : index
    %get3A_3 = arith.constant 0 : index
    %get3A_4 = vector.load %arg3[%get3A_2, %get3A_3] : memref<128x128xf32, #tpu.memory_space<vmem>>, vector<128x128xf32>
    %dot_general3A = arith.constant dense<0.000000e+00> : vector<4096x128xf32>
    %dot_general3A_5 = tpu.matmul %get3A_1, %get3A_4, %dot_general3A {dimension_numbers = #tpu.dot_dimension_numbers<[1], [0], [0], [1], [0, 0, 1, 1], [], []>, transpose_lhs_hint = false} : vector<4096x128xf32>, vector<128x128xf32>, vector<4096x128xf32> -> vector<4096x128xf32>
    %get3A_6 = arith.constant 0 : index
    %get3A_7 = arith.constant 0 : index
    %get3A_8 = vector.load %arg4[%get3A_6, %get3A_7] : memref<1x128xf32, #tpu.memory_space<vmem>>, vector<1x128xf32>
    %add3A = vector.broadcast %get3A_8 : vector<1x128xf32> to vector<4096x128xf32>
    %add3A_9 = arith.addf %dot_general3A_5, %add3A : vector<4096x128xf32>
    %get3A_10 = arith.constant 0 : index
    %get3A_11 = arith.constant 0 : index
    %get3A_12 = vector.load %arg2[%get3A_10, %get3A_11] : memref<4096x8xi32, #tpu.memory_space<vmem>>, vector<4096x8xi32>
    %get3A_13 = arith.constant dense<0> : vector<4096x8xi32>
    %get3A_14 = arith.cmpi ne, %get3A_12, %get3A_13 : vector<4096x8xi32>
    %convert_element_type3A = arith.extui %get3A_14 : vector<4096x8xi1> to vector<4096x8xi32>
    %convert_element_type3A_15 = arith.sitofp %convert_element_type3A : vector<4096x8xi32> to vector<4096x8xf32>
    %get3A_16 = arith.constant 0 : index
    %get3A_17 = arith.constant 0 : index
    %get3A_18 = vector.load %arg5[%get3A_16, %get3A_17] : memref<8x128xf32, #tpu.memory_space<vmem>>, vector<8x128xf32>
    %dot_general3A_19 = arith.constant dense<0.000000e+00> : vector<4096x128xf32>
    %dot_general3A_20 = tpu.matmul %convert_element_type3A_15, %get3A_18, %dot_general3A_19 {dimension_numbers = #tpu.dot_dimension_numbers<[1], [0], [0], [1], [0, 0, 1, 1], [], []>, transpose_lhs_hint = false} : vector<4096x8xf32>, vector<8x128xf32>, vector<4096x128xf32> -> vector<4096x128xf32>
    %mul3A = arith.mulf %add3A_9, %dot_general3A_20 : vector<4096x128xf32>
    %swap3A = arith.constant 0 : index
    %swap3A_21 = arith.constant 0 : index
    %swap3A_22 = vector.load %arg6[%swap3A, %swap3A_21] : memref<4096x128xf32, #tpu.memory_space<vmem>>, vector<4096x128xf32>
    tpu.vector_store %arg6[%swap3A, %swap3A_21], %mul3A {strides = array<i32>} : memref<4096x128xf32, #tpu.memory_space<vmem>>, vector<4096x128xf32>,
    return
  }
  func.func @transform_0(%arg0: i32) -> (i32, i32) {
    %c0_i32 = arith.constant 0 : i32
    %c0_i32_0 = arith.constant 0 : i32
    return %arg0, %c0_i32 : i32, i32
  }
  func.func @transform_1(%arg0: i32) -> (i32, i32) {
    %c0_i32 = arith.constant 0 : i32
    %c0_i32_0 = arith.constant 0 : i32
    return %arg0, %c0_i32 : i32, i32
  }
  func.func @transform_2(%arg0: i32) -> (i32, i32) {
    %c0_i32 = arith.constant 0 : i32
    %c0_i32_0 = arith.constant 0 : i32
    %c0_i32_1 = arith.constant 0 : i32
    return %c0_i32, %c0_i32_0 : i32, i32
  }
  func.func @transform_3(%arg0: i32) -> (i32, i32) {
    %c0_i32 = arith.constant 0 : i32
    %c0_i32_0 = arith.constant 0 : i32
    %c0_i32_1 = arith.constant 0 : i32
    return %c0_i32, %c0_i32_0 : i32, i32
  }
  func.func @transform_4(%arg0: i32) -> (i32, i32) {
    %c0_i32 = arith.constant 0 : i32
    %c0_i32_0 = arith.constant 0 : i32
    %c0_i32_1 = arith.constant 0 : i32
    return %c0_i32, %c0_i32_0 : i32, i32
  }
  func.func @transform_5(%arg0: i32) -> (i32, i32) {
    %c0_i32 = arith.constant 0 : i32
    %c0_i32_0 = arith.constant 0 : i32
    return %arg0, %c0_i32 : i32, i32
  }
}

</mosaic_0001>

<sc_bundles>
// kernel: sparse-core-data-format-call.cloned.1.call-start
scs
called_computation_lowered:
.L_overlay_start_0:
0x0: {  	s2 =	sld [smem:$0x3FD9]  }
0x1: {  	s3 =	sld [smem:$0x3FFE];
	_ =	sdelay $0x1  }
0x2: {  	s1 =	srdreg.scid  }
0x3: {  	s0 =	sand.u32 $0x1, s1  }
0x4: {  	s18 =	sshll.u32 s0, $0xA;
	s2 =	sadd.s32 s3, s2  }
0x5: {  	s2 =	sadd.s32 s2, s18  }
0x6: {  	[smem:$0x3FC4] =	sst s2  }
0x7: {  	_ = 	snop  }
0x8: {  	s2 =	sld [smem:$0x3FD0];
	(tm) =	ssettm $0x1  }
0x9: {  	s19 =	sld [smem:$0x3FFB];
	_ =	sdelay $0x3  }
0xa: {  	_ =	strace s19  }
0xb: {  	s3 =	sld [smem:$0x3FFC];
	_ =	sdelay $0x3  }
0xc: {  	_ =	strace s3  }
0xd: {  	s3 =	sld [smem:$0x3FFD];
	_ =	sdelay $0x3  }
0xe: {  	_ =	strace s3  }
0xf: {  	_ =	strace $0x8FFFFFFF  }
0x10: {  	s20 =	sld [smem:$0x3FDB];
	_ =	sdelay $0x1  }
0x11: {  	s4 =	simm.s32 $_scs_section_size  }
0x12: {  	s5 =	simm.s32 $_size__tile_overlayer_lowered;
	s6 =	simm.s32 $_tile_overlayer_lowered  }
0x13: {  	s23 =	simm.s32 $0x1BFF;
	s22 =	sshll.u32 s6, $0x1;
	s3 =	sadd.s32 s4, s20  }
0x14: {  	s7 =	simm.s32 $0x0;
	s21 =	sshll.u32 s5, $0x1;
	s5 =	sadd.s32 s22, s3  }
0x15: {  	[timem:s7], [sflag:s23] =	dma.local [hbm:s5], s21  }
0x16: {  	_ =	swait.ge [sflag:s23], s21  }
0x17: {  	s4 =	ssub.s32 $0x0, s21;
	[sflag:s23] =	ssyncset.done $0x0  }
0x18: {  	[sflag:s23] =	ssyncadd.s32 s4;
	_ =	sdelay $0x1  }
0x19: {  	s24 =	simm.s32 $0x1B8B  }
0x1a: {  	_ =	swait.ge [sflag:s24], $0x1  }
0x1b: {  	[sflag:s24] =	ssyncset.done $0x0  }
0x1c: {  	s26 =	simm.s32 $0x1B8E;
	s25 =	sld [smem:$0x3FFE];
	[sflag:s24] =	ssyncadd.s32 $0xFFFFFFFF  }
0x1d: {  	s27 =	simm.s32 $execute0_lowered;
	[smem:$0x3FD2] =	sst s26  }
0x1e: {  	s5 =	sshll.u32 s27, $0x1;
	_ =	strace $0x80000046;
	[dreg:$0x1] =	wrdreg $0xFFFFFFFF  }
0x1f: {  	s28 =	simm.s32 $_size_execute0_lowered;
	s3 =	sadd.s32 s3, s5;
	[dreg:$0x0] =	wrdreg $0x0  }
0x20: {  	s5 =	sshll.u32 s28, $0x1;
	[dreg:$0x2] =	wrdreg s3  }
0x21: {  	[dreg:$0x3] =	wrdreg s5  }
0x22: {  	[dreg:$0x4] =	wrdreg $0xC0  }
0x23: {  	_ =	task [dreg:s7], $0x5FFFF  }
0x24: {  	[dreg:$0x1] =	wrdreg $0xFFFFFFFF  }
0x25: {  	[dreg:$0x0] =	wrdreg $0x60  }
0x26: {  	[dreg:$0x2] =	wrdreg s25  }
0x27: {  	[dreg:$0x3] =	wrdreg s2  }
0x28: {  	[dreg:$0x4] =	wrdreg $0x9  }
0x29: {  	_ =	task.clear_ibuf [dreg:s7], $0x5FFFF;
	_ =	strace $0x90000046  }
0x2a: {  	s29 =	simm.s32 $0x9;
	_ =	strace $0x80000048  }
0x2b: {  	_ =	swait.ge [sflag:s29], $0x1  }
0x2c: {  	[sflag:s29] =	ssyncadd.s32 $0xFFFFFFFF  }
0x2d: {  	_ =	strace $0x90000048  }
0x2e: {  	_ =	sfence  }
0x2f: {  	s30 =	sld [smem:$0x0];
	_ =	sdelay $0x2  }
0x30: {  	s31 =	sshll.u32 s1, $0xD;
	s1 =	sshrl.u32 s1, $0x2  }
0x31: {  	s3 =	sand.u32 $0x4000, s31;
	s1 =	sadd.s32 s1, s30  }
0x32: {  	s0 =	sor.u32 s3, s0;
	s1 =	sshll.u32 s1, $0x11  }
0x33: {  	s0 =	sor.u32 s1, s0  }
0x34: {  	s0 =	sadd.s32 $0x8F2B, s0  }
0x35: {  	[sflag:s0] =	ssyncadd.remote.s32 $0x1  }
0x36: {  	_ =	sfence.sel $0xFFFF  }
0x37: {  	[dreg:$0x0] =	wrdreg $0xFFFFFFFF;
	(pc) =	sbr.abs _section_cstart, $3  }
0x38: {  	[dreg:$0x1] =	wrdreg $0xFFFFFFFF  }
0x39: {  	_ =	task.clear_ibuf [dreg:s7], $0x2FFFF;
	_ =	strace $0x9FFFFFFF  }
0x3a: {  	(tm) =	ssettm $0x7FFFFFFF  }
0x3b: {  	_ =	shalt  }
tec
execute0_lowered:
.L_overlay_start_1:
0x0: {  	(tag) =	ssettag $0x1  }
0x1: {  	s14 =	rddreg [dreg:$0x0]  }
0x2: {  	s2 =	rddreg [dreg:$0x1];
	s3 =	srdreg.scid  }
0x3: {  	s0 =	rddreg [dreg:$0x2];
	s1 =	stileid.u32  }
0x4: {  	_ =	strace $0x80000047;
	s5 =	simm.s32 $0x1;
	s7 =	simm.s32 $0x2  }
0x5: {  	s10 =	simm.s32 $0x1;
	s21 =	simm.s32 $0x0;
	s16 =	simm.s32 $0x1000  }
0x6: {  	s22 =	simm.s32 $0x0;
	s23 =	simm.s32 $0x0;
	s3 =	sshll.u32 s3, $0x4  }
0x7: {  	s17 =	simm.s32 $0x0;
	s20 =	simm.s32 $0x0;
	s4 =	sor.u32 s1, s3  }
0x8: {  	[sflag:s5] =	ssyncpa.u1 $0x0;
	s12 =	sadd.s32 $0x80B200, s14;
	s4 =	sand.u32 $0x18, s4  }
0x9: {  	s6 =	sand.u32 $0x7, s1;
	s13 =	sadd.s32 $0x80D200, s14;
	s8 =	ssub.s32 $0x200, s4  }
0xa: {  	s3 =	sadd.s32 $0x801200, s14;
	[sflag:s7] =	ssyncpa.u1 $0x0;
	s31 =	sand.u32 $0x18, s8  }
.Ltmp0:
0xb: {  	s7 =	sadd.s32 $0x803200, s14;
	p0 =	sne.s32 s31, $0x0;
	(pc) =	sbr.rel .LBB1_1-.Ltmp0, $4  }
0xc: {  	s19 =	smov.u32 s6;
	s9 =	sshrl.u32 s8, $0x5;
	s10 =	simm.s32 @!p0 $0x0  }
0xd: {  	s18 =	smov.u32 s4;
	s8 =	sadd.s32 $0x805200, s14;
	s11 =	sadd.s32 s10, s9  }
0xe: {  	p0 =	por $0x0, $0x0;
	s9 =	sadd.s32 $0x807200, s14;
	s11 =	sshll.u32 s11, $0x2  }
0xf: {  	s10 =	sadd.s32 $0x809200, s14;
	s14 =	sadd.s32 $0x80F200, s14;
	s15 =	sor.u32 $0x1, s11  }
.LBB1_7:
0x10: {  	s24 =	sadd.s32 $0x80, s17  }
0x11: {  	s21 =	sadd.s32 $0x20, s18;
	s25 =	smov.u32 s18;
	p2 =	sgt.s32 s24, $0x1FF  }
0x12: {  	s25 =	smov.u32 @p2 s21  }
0x13: {  	s27 =	smov.u32 s19;
	s21 =	sadd.s32 $0x8, s19;
	p3 =	sgt.s32 s25, $0x1FF  }
0x14: {  	s27 =	smov.u32 @p3 s21  }
0x15: {  	s24 =	simm.s32 @p2 $0x0;
	p2 =	sgt.s32 s27, $0x7  }
0x16: {  	p1 =	slt.u32 s20, $0x2;
	s27 =	smov.u32 @p2 s6;
	p2 =	sne.s32 s20, s15  }
.Ltmp1:
0x17: {  	s26 =	simm.s32 @!p1 $0x2;
	(pc) =	sbr.rel @!p2 .LBB1_8-.Ltmp1, $4  }
0x18: {  	s22 =	smov.u32 s18;
	s23 =	smov.u32 s19;
	_ =	swait.ge @!p1 [sflag:s26], $0x4000  }
0x19: {  	p0 =	por !p0, !p0;
	[sflag:s26] =	ssyncset.done @!p1 $0x0;
	s25 =	smov.u32 @p3 s4  }
0x1a: {  	s21 =	smov.u32 s17;
	[sflag:s26] =	ssyncadd.s32 @!p1 $0xFFFFC000;
	s17 =	smov.u32 s24  }
0x1b: {  	s18 =	smov.u32 s25;
	s20 =	sadd.s32 $0x1, s20;
	s19 =	smov.u32 s27  }
.LBB1_1:
0x1c: {  	p1 =	sge.u32 s20, s11  }
0x1d: {  	s24 =	sxor.u32 @!p1 $0xFFFFFFFF, s20;
	s25 =	sshll.u32 @!p1 s19, $0x16;
	s26 =	sshll.u32 @!p1 s18, $0xD  }
0x1e: {  	s28 =	sshll.u32 @!p1 s17, $0x4;
	s29 =	simm.s32 @!p1 $0x10;
	s27 =	sadd.s32 @!p1 s25, s26  }
0x1f: {  	s24 =	sshll.u32 @!p1 s24, $0xE;
	s28 =	sand.u32 @!p1 $0x1FF0, s28;
	s27 =	sadd.s32 @!p1 s3, s27  }
0x20: {  	s30 =	simm.s32 @!p1 $0x80;
	s24 =	sand.u32 @!p1 $0x4000, s24;
	s27 =	sadd.s32 @!p1 s28, s27  }
0x21: {  	[tilespmem:s24], [sflag:$0x1] =	stream.strided.gather @!p1 [hbm4b:s27+s29], $0x800, s30, s29, $0x38;
	[tilespmem:$0x10100] =	vst v63  }
0x22: {  	s27 =	sadd.s32 @!p1 s25, s7  }
0x23: {  	s27 =	sadd.s32 @!p1 s26, s27  }
0x24: {  	s31 =	sor.u32 @!p1 $0x800, s24;
	s27 =	sadd.s32 @!p1 s28, s27  }
0x25: {  	[tilespmem:s31], [sflag:$0x1] =	stream.strided.gather @!p1 [hbm4b:s27+s29], $0x800, s30, s29, $0x38;
	[tilespmem:$0x10100] =	vst v63  }
0x26: {  	s27 =	sadd.s32 @!p1 s25, s8  }
0x27: {  	s27 =	sadd.s32 @!p1 s26, s27  }
0x28: {  	s31 =	sor.u32 @!p1 $0x1000, s24;
	s27 =	sadd.s32 @!p1 s28, s27  }
0x29: {  	[tilespmem:s31], [sflag:$0x1] =	stream.strided.gather @!p1 [hbm4b:s27+s29], $0x800, s30, s29, $0x38;
	[tilespmem:$0x10100] =	vst v63  }
0x2a: {  	s27 =	sadd.s32 @!p1 s25, s9  }
0x2b: {  	s27 =	sadd.s32 @!p1 s26, s27  }
0x2c: {  	s31 =	sor.u32 @!p1 $0x1800, s24;
	s27 =	sadd.s32 @!p1 s28, s27  }
0x2d: {  	[tilespmem:s31], [sflag:$0x1] =	stream.strided.gather @!p1 [hbm4b:s27+s29], $0x800, s30, s29, $0x38;
	[tilespmem:$0x10100] =	vst v63  }
0x2e: {  	s27 =	sadd.s32 @!p1 s25, s10  }
0x2f: {  	s27 =	sadd.s32 @!p1 s26, s27  }
0x30: {  	s31 =	sor.u32 @!p1 $0x2000, s24;
	s27 =	sadd.s32 @!p1 s28, s27  }
0x31: {  	[tilespmem:s31], [sflag:$0x1] =	stream.strided.gather @!p1 [hbm4b:s27+s29], $0x800, s30, s29, $0x38;
	[tilespmem:$0x10100] =	vst v63  }
0x32: {  	s27 =	sadd.s32 @!p1 s25, s12  }
0x33: {  	s27 =	sadd.s32 @!p1 s26, s27  }
0x34: {  	s31 =	sor.u32 @!p1 $0x2800, s24;
	s27 =	sadd.s32 @!p1 s28, s27  }
0x35: {  	[tilespmem:s31], [sflag:$0x1] =	stream.strided.gather @!p1 [hbm4b:s27+s29], $0x800, s30, s29, $0x38;
	[tilespmem:$0x10100] =	vst v63  }
0x36: {  	s27 =	sadd.s32 @!p1 s25, s13  }
0x37: {  	s25 =	sadd.s32 @!p1 s25, s14;
	s27 =	sadd.s32 @!p1 s26, s27  }
0x38: {  	s31 =	sor.u32 @!p1 $0x3000, s24;
	s25 =	sadd.s32 @!p1 s26, s25;
	s27 =	sadd.s32 @!p1 s28, s27  }
0x39: {  	[tilespmem:s31], [sflag:$0x1] =	stream.strided.gather @!p1 [hbm4b:s27+s29], $0x800, s30, s29, $0x38;
	[tilespmem:$0x10100] =	vst v63  }
0x3a: {  	s24 =	sor.u32 @!p1 $0x3800, s24;
	s25 =	sadd.s32 @!p1 s28, s25;
	s31 =	sadd.s32 $0xFFFFFFFF, s20  }
0x3b: {  	[tilespmem:s24], [sflag:$0x1] =	stream.strided.gather @!p1 [hbm4b:s25+s29], $0x800, s30, s29, $0x38;
	[tilespmem:$0x10100] =	vst v63  }
0x3c: {  	p1 =	sge.u32 s31, s11  }
.Ltmp2:
0x3d: {  	_ = 	snop;
	(pc) =	sbr.rel @p1 .LBB1_7-.Ltmp2, $1  }
0x3e: {  	_ =	sdelay $0x3  }
0x3f: {  	s24 =	simm.s32 $0x1;
	s26 =	sand.u32 $0x1, s20  }
0x40: {  	_ =	swait.ge [sflag:s5], $0x4000;
	s24 =	simm.s32 @!p0 $0x0;
	s27 =	smul.u32 $0x10200, s26  }
0x41: {  	[sflag:s5] =	ssyncset.done $0x0;
	s25 =	smul.u32 $0x10200, s24  }
0x42: {  	s24 =	sshll.u32 s24, $0xE;
	[sflag:s5] =	ssyncadd.s32 $0xFFFFC000  }
0x43: {  	s26 =	sor.u32 $0x40, s24;
	s31 =	sshrl.u32 s27, $0x2;
	s25 =	sshrl.u32 s25, $0x2  }
0x44: {  	s27 =	simm.s32 $0x0;
	s24 =	sor.u32 $0x8000, s31;
	s25 =	sor.u32 $0x8007, s25  }
.LBB1_3:
0x45: {  	v3 =	vld [tilespmem:s26+$0x30]  }
0x46: {  	v4 =	vld [tilespmem:s26+$0xFFFFFFD0]  }
0x47: {  	v5 =	vld [tilespmem:s26+$0xFFFFFFE0]  }
0x48: {  	v1 =	vld [tilespmem:s26+$0xFFFFFFF0]  }
0x49: {  	v0 =	vld [tilespmem:s26+$0x0]  }
0x4a: {  	v2 =	vld [tilespmem:s26+$0x10];
	[tilespmem:s25+$0x0 ss:$0x81] =	vst.msk $0xffff, v3  }
0x4b: {  	[tilespmem:s25+$0xFFFFFFFA ss:$0x81] =	vst.msk $0xffff, v4;
	v4 =	vld [tilespmem:s26+$0x20]  }
0x4c: {  	s29 =	simm.s32 $0x0;
	s30 =	sadd.s32 $0x80, s26;
	s28 =	smov.u32 s25;
	v3 =	vld [tilespmem:s26+$0xFFFFFFC0];
	[tilespmem:s25+$0xFFFFFFFB ss:$0x81] =	vst.msk $0xffff, v5  }
.LBB1_4:
0x4d: {  	v5 =	vld [tilespmem:s30+$0x30];
	s29 =	sadd.s32 $0x8, s29;
	[tilespmem:s28+$0xFFFFFFFC ss:$0x81] =	vst.msk $0xffff, v1  }
0x4e: {  	v6 =	vld [tilespmem:s30+$0xFFFFFFD0];
	p1 =	slt.u32 s29, $0x78;
	[tilespmem:s28+$0xFFFFFFFD ss:$0x81] =	vst.msk $0xffff, v0  }
0x4f: {  	v7 =	vld [tilespmem:s30+$0xFFFFFFE0];
	[tilespmem:s28+$0xFFFFFFFE ss:$0x81] =	vst.msk $0xffff, v2  }
.Ltmp3:
0x50: {  	v1 =	vld [tilespmem:s30+$0xFFFFFFF0];
	[tilespmem:s28+$0xFFFFFFFF ss:$0x81] =	vst.msk $0xffff, v4;
	(pc) =	sbr.rel @p1 .LBB1_4-.Ltmp3, $4  }
0x51: {  	v0 =	vld [tilespmem:s30+$0x0];
	[tilespmem:s28+$0xFFFFFFF9 ss:$0x81] =	vst.msk $0xffff, v3;
	s28 =	sadd.s32 $0x8, s28  }
0x52: {  	v2 =	vld [tilespmem:s30+$0x10];
	[tilespmem:s28+$0x0 ss:$0x81] =	vst.msk $0xffff, v5  }
0x53: {  	[tilespmem:s28+$0xFFFFFFFA ss:$0x81] =	vst.msk $0xffff, v6;
	v4 =	vld [tilespmem:s30+$0x20]  }
0x54: {  	v3 =	vld [tilespmem:s30+$0xFFFFFFC0];
	[tilespmem:s28+$0xFFFFFFFB ss:$0x81] =	vst.msk $0xffff, v7;
	s30 =	sadd.s32 $0x80, s30  }
0x55: {  	s27 =	sadd.s32 $0x1, s27  }
0x56: {  	p1 =	sne.s32 s27, $0x8  }
.Ltmp4:
0x57: {  	[tilespmem:s28+$0xFFFFFFFC ss:$0x81] =	vst.msk $0xffff, v1;
	(pc) =	sbr.rel @p1 .LBB1_3-.Ltmp4, $4  }
0x58: {  	[tilespmem:s28+$0xFFFFFFFD ss:$0x81] =	vst.msk $0xffff, v0  }
0x59: {  	[tilespmem:s28+$0xFFFFFFFE ss:$0x81] =	vst.msk $0xffff, v2  }
0x5a: {  	[tilespmem:s28+$0xFFFFFFFF ss:$0x81] =	vst.msk $0xffff, v4  }
0x5b: {  	s25 =	sadd.s32 $0x810, s25;
	s26 =	sadd.s32 $0x800, s26;
	[tilespmem:s28+$0xFFFFFFF9 ss:$0x81] =	vst.msk $0xffff, v3  }
0x5c: {  	s23 =	sshll.u32 s23, $0x13;
	s25 =	sand.u32 $0x380, s21  }
.Ltmp5:
0x5d: {  	s22 =	sshll.u32 s22, $0xA;
	s23 =	sadd.s32 s2, s23;
	(pc) =	sbr.rel .LBB1_7-.Ltmp5, $4  }
0x5e: {  	s26 =	sshrl.u32 s21, $0x3;
	s30 =	sand.u32 $0x7, s21;
	s22 =	sadd.s32 s22, s23  }
0x5f: {  	s31 =	sand.u32 $0xF, s26;
	s21 =	sshll.u32 s30, $0x12;
	s22 =	sadd.s32 s25, s22  }
0x60: {  	s21 =	sor.u32 $0x400, s21;
	s22 =	sadd.s32 s31, s22  }
0x61: {  	[hbm4b:s22+s21] =	stream.strided.scatter [tilespmem:s24], [sflag:$0x2], $0x4000, s16, s21, $0x20;
	[tilespmem:$0x10100] =	vst v63  }
.LBB1_8:
0x62: {  	_ =	sfence.sel $0x180000  }
0x63: {  	s2 =	simm.s32 $0x1;
	[bflag:$0x0] =	sbarrier.arrive $0xFFFF  }
0x64: {  	s31 =	simm.s32 $0x2;
	[sflag:s2] =	ssyncpa.u1 $0x1  }
0x65: {  	[sflag:s31] =	ssyncpa.u1 $0x1  }
0x66: {  	p0 =	sne.s32 s1, $0x0;
	_ =	strace $0x90000047  }
0x67: {  	s0 =	sadd.s32 @!p0 $0x100000, s0;
	[bflag:$0x2] =	sbarrier.arrive $0xFFFF  }
0x68: {  	[sflag:s0] =	ssyncadd.tile.s32 @!p0 $0x1;
	_ =	shalt  }
.Lfunc_end1:
_tile_overlayer_lowered:
.L_overlay_start_2:
0x69: {  	(tag) =	ssettag $0x2  }
0x6a: {  	s0 =	rddreg [dreg:$0x0];
	s2 =	stileid.u32  }
0x6b: {  	s1 =	rddreg [dreg:$0x1];
	p0 =	sne.s32 s2, $0x0  }
0x6c: {  	s3 =	rddreg [dreg:$0x2];
	[bflag:$0x3] =	sbarrier.arrive $0xFFFF;
	s2 =	simm.s32 @!p0 $0x1C01  }
0x6d: {  	[timem:s3], [sflag:s2] =	dma.local @!p0 [hbm:s0], s1  }
0x6e: {  	s0 =	simm.s32 @!p0 $0x1  }
0x6f: {  	_ =	swait.ge @!p0 [sflag:s0], s1  }
0x70: {  	s1 =	ssub.s32 @!p0 $0x0, s1;
	[sflag:s0] =	ssyncset.done @!p0 $0x0  }
0x71: {  	[sflag:s0] =	ssyncadd.s32 @!p0 s1  }
0x72: {  	[bflag:$0x3] =	sbarrier.arrive $0xFFFF  }
0x73: {  	_ =	shalt  }

</sc_bundles>
